<compile_context>
chip_gen: v7x
topology: tpu7x:2x2x1
jax: 0.10.2.dev20260603
libtpu: 0.0.44.dev20260713+nightly
codegen_flags: <defaults>
</compile_context>

<pallas_src>
import functools

import jax
import jax.numpy as jnp
from jax import lax
from jax.experimental import pallas as pl
from jax.experimental.pallas import tpu as pltpu
from jax.experimental.pallas import tpu_sc as plsc

_B = 4096
_F = 26
_V = 100000
_D = 16
_ND = 13
_HID = 512
_BF = _B * _F
_NW = 32
_CHUNK = _BF // _NW
_NG = _CHUNK // 16
_BB = 256


def _gather_embs(idx2, tab2):
    mesh = plsc.VectorSubcoreMesh(core_axis_name="c", subcore_axis_name="s")

    @functools.partial(
        pl.kernel,
        out_type=jax.ShapeDtypeStruct((_BF, _D), jnp.float32),
        mesh=mesh,
        compiler_params=pltpu.CompilerParams(use_tc_tiling_on_sc=False),
        scratch_types=[
            pltpu.VMEM((_CHUNK,), jnp.int32),
            pltpu.VMEM((_CHUNK, _D), jnp.float32),
            pltpu.SemaphoreType.DMA,
        ],
    )
    def sc_gather(idx_hbm, tab_hbm, out_hbm, idx_v, rows_v, sem):
        wid = lax.axis_index("s") * 2 + lax.axis_index("c")
        base = wid * _CHUNK
        pltpu.sync_copy(idx_hbm.at[wid], idx_v)
        lane = lax.iota(jnp.int32, 16)

        def body(j, carry):
            v = idx_v[pl.ds(j * 16, 16)]
            f = lax.rem(base + j * 16 + lane, _F)
            pltpu.async_copy(
                tab_hbm.at[v + f * _V],
                rows_v.at[pl.ds(j * 16, 16)],
                sem,
            )
            return carry

        lax.fori_loop(0, _NG, body, 0)
        pltpu.make_async_copy(
            out_hbm.at[pl.ds(base, _CHUNK)],
            rows_v,
            sem,
        ).wait()
        pltpu.sync_copy(rows_v, out_hbm.at[pl.ds(base, _CHUNK)])

    return sc_gather(idx2, tab2)


def _tc_body(x_ref, e_ref, w1_ref, b1_ref, w2_ref, b2_ref, wc_ref, wd_ref,
             bo_ref, o_ref):
    h = jnp.maximum(
        jnp.dot(x_ref[...], w1_ref[...], preferred_element_type=jnp.float32)
        + b1_ref[...], 0.0)
    dense = jnp.maximum(
        jnp.dot(h, w2_ref[...], preferred_element_type=jnp.float32)
        + b2_ref[...], 0.0)
    e = e_ref[...]
    gu = jnp.dot(e, wc_ref[...], preferred_element_type=jnp.float32)
    g = gu[:, : _F * _D]
    u = gu[:, _F * _D:]
    pd = jnp.sum(g * e, axis=1, keepdims=True)
    dterm = jnp.sum(dense * (u + wd_ref[...]), axis=1, keepdims=True)
    o_ref[...] = jnp.maximum(pd + dterm + bo_ref[...], 0.0)


def kernel(dense_features, sparse_indices, tables, W1, b1, W2, b2, Wo, bo):
    tab2 = tables.reshape(_F * _V, _D)
    idx2 = sparse_indices.reshape(_NW, _CHUNK)
    embs = _gather_embs(idx2, tab2)
    e2 = embs.reshape(_B, _F * _D)

    wd = Wo[:_D, 0].reshape(1, _D)
    wsd = Wo[_D:_D + _F, 0]
    wpd = Wo[_D + _F:, 0]
    iu0, iu1 = jnp.triu_indices(_F, k=1)
    a = jnp.zeros((_F, _F), jnp.float32).at[iu0, iu1].set(wpd)
    a = 0.5 * (a + a.T)
    eye = jnp.eye(_D, dtype=jnp.float32)
    wc = jnp.concatenate(
        [jnp.kron(a, eye), jnp.kron(wsd[:, None], eye)], axis=1)

    out = pl.pallas_call(
        _tc_body,
        grid=(_B // _BB,),
        in_specs=[
            pl.BlockSpec((_BB, _ND), lambda i: (i, 0)),
            pl.BlockSpec((_BB, _F * _D), lambda i: (i, 0)),
            pl.BlockSpec((_ND, _HID), lambda i: (0, 0)),
            pl.BlockSpec((1, _HID), lambda i: (0, 0)),
            pl.BlockSpec((_HID, _D), lambda i: (0, 0)),
            pl.BlockSpec((1, _D), lambda i: (0, 0)),
            pl.BlockSpec((_F * _D, _F * _D + _D), lambda i: (0, 0)),
            pl.BlockSpec((1, _D), lambda i: (0, 0)),
            pl.BlockSpec((1, 1), lambda i: (0, 0)),
        ],
        out_specs=pl.BlockSpec((_BB, 1), lambda i: (i, 0)),
        out_shape=jax.ShapeDtypeStruct((_B, 1), jnp.float32),
    )(dense_features, e2, W1, b1.reshape(1, _HID), W2, b2.reshape(1, _D),
      wc, wd, bo.reshape(1, 1))
    return out

# --- scband reference (transcript-rebuilt; emitter-appended) ---
"""Pipeline reference for scband-simple-sparse-nn-82497731821577 (READ-ONLY COPY).

The authoritative reference and input builder live on the scoring server;
editing this copy changes nothing except your own understanding.
"""

import jax, jax.numpy as jnp
import numpy as np

B = 4096
F = 26
V = 100000
D = 16
NUM_DENSE = 13
HID = 512
OUT = 1
NUM_INTER = F + F * (F - 1) // 2


def setup_inputs(seed: int = 0) -> dict:
    key = jax.random.key(seed)
    ks = jax.random.split(key, 10)
    dense_features = jax.random.normal(ks[0], (B, NUM_DENSE), dtype=jnp.float32)
    sparse_indices = jax.random.randint(ks[1], (B, F), 0, V, dtype=jnp.int32)
    # one embedding table per sparse feature, stacked: [F, V, D]
    tables = jax.random.normal(ks[2], (F, V, D), dtype=jnp.float32) * 0.01
    # DenseArch MLP: NUM_DENSE -> HID -> D
    W1 = jax.random.normal(ks[3], (NUM_DENSE, HID), dtype=jnp.float32) * (1.0 / np.sqrt(NUM_DENSE))
    b1 = jnp.zeros((HID,), dtype=jnp.float32)
    W2 = jax.random.normal(ks[4], (HID, D), dtype=jnp.float32) * (1.0 / np.sqrt(HID))
    b2 = jnp.zeros((D,), dtype=jnp.float32)
    # OverArch MLP: (D + F + C(F,2)) -> OUT
    Wo = jax.random.normal(ks[5], (D + NUM_INTER, OUT), dtype=jnp.float32) * (1.0 / np.sqrt(D + NUM_INTER))
    bo = jnp.zeros((OUT,), dtype=jnp.float32)
    return {
        "dense_features": dense_features,
        "sparse_indices": sparse_indices,
        "tables": tables,
        "W1": W1, "b1": b1, "W2": W2, "b2": b2,
        "Wo": Wo, "bo": bo,
    }


def reference(dense_features, sparse_indices, tables, W1, b1, W2, b2, Wo, bo):
    # DenseArch: Linear -> ReLU -> Linear -> ReLU, project dense feats into embedding space
    h = jax.nn.relu(dense_features @ W1 + b1)
    dense = jax.nn.relu(h @ W2 + b2)  # [B, D]
    # SparseArch: per-feature embedding-bag lookup (1 index per bag => gather)
    embs = tables[jnp.arange(F)[None, :], sparse_indices]  # [B, F, D]
    # InteractionArch: sparse-vs-dense dots, then all pairwise sparse-sparse dots
    sd = jnp.sum(embs * dense[:, None, :], axis=2)  # [B, F]
    gram = jnp.einsum('bfd,bgd->bfg', embs, embs)  # [B, F, F]
    iu0, iu1 = jnp.triu_indices(F, k=1)  # matches itertools.combinations order
    pd = gram[:, iu0, iu1]  # [B, F*(F-1)//2]
    interactions = jnp.concatenate([sd, pd], axis=1)  # [B, F + C(F,2)]
    cat = jnp.concatenate([dense, interactions], axis=1)  # [B, D + F + C(F,2)]
    # OverArch: Linear -> ReLU
    logits = jax.nn.relu(cat @ Wo + bo)  # [B, OUT]
    return logits

if __name__ == "__main__":
    import jax
    _d = setup_inputs()
    print(jax.jit(kernel)(*tuple(_d.values())))

</pallas_src>

<mosaic_0001>
#map = affine_map<(d0, d1) -> (0, 0)>
module attributes {stable_mosaic.version = 14 : i64} {
  func.func @sc_gather(%arg0: i32, %arg1: i32, %arg2: memref<32x3328xi32, #tpu.memory_space<hbm>>, %arg3: memref<2600000x16xf32, #tpu.memory_space<hbm>>, %arg4: memref<106496x16xf32, #tpu.memory_space<hbm>>, %arg5: memref<3328xi32, #tpu.memory_space<vmem>>, %arg6: memref<3328x16xf32, #tpu.memory_space<vmem>>, %arg7: memref<!tpu.dma_semaphore, #tpu.memory_space<semaphore_mem>>) attributes {dimension_semantics = [#tpu.dimension_semantics<core_parallel>, #tpu.dimension_semantics<subcore_parallel>], iteration_bounds = array<i64: 2, 16>, scalar_prefetch = 0 : i64, scratch_operands = 3 : i64, tpu.core_type = #tpu.core_type<sc_vector_subcore>, window_params = [{transform_indices = #map}, {transform_indices = #map}, {transform_indices = #map}]} {
    %mul3A = arith.constant 2 : i32
    %mul3A_0 = arith.muli %arg1, %mul3A : i32
    %add3A = arith.addi %mul3A_0, %arg0 : i32
    %mul3A_1 = arith.constant 3328 : i32
    %mul3A_2 = arith.muli %add3A, %mul3A_1 : i32
    "tpu.region"() ({
      %run_scoped3A = tpu.sem_alloc : memref<!tpu.dma_semaphore, #tpu.memory_space<semaphore_mem>>
      %dma_start3A = arith.constant 0 : i32
      %dma_start3A_11 = tpu.memref_slice %arg2[%add3A, %dma_start3A] : memref<32x3328xi32, #tpu.memory_space<hbm>> -> memref<1x3328xi32, #tpu.memory_space<hbm>>
      %dma_start3A_12 = tpu.memref_squeeze %dma_start3A_11 : memref<1x3328xi32, #tpu.memory_space<hbm>> -> memref<3328xi32, #tpu.memory_space<hbm>>
      %dma_start3A_13 = arith.constant 0 : i32
      %dma_start3A_14 = tpu.memref_slice %arg2[%add3A, %dma_start3A_13] : memref<32x3328xi32, #tpu.memory_space<hbm>> -> memref<1x3328xi32, #tpu.memory_space<hbm>>
      %dma_start3A_15 = tpu.memref_squeeze %dma_start3A_14 : memref<1x3328xi32, #tpu.memory_space<hbm>> -> memref<3328xi32, #tpu.memory_space<hbm>>
      tpu.enqueue_dma source(%dma_start3A_15 : memref<3328xi32, #tpu.memory_space<hbm>>) target(%arg5 : memref<3328xi32, #tpu.memory_space<vmem>>) target_semaphore(%run_scoped3A : memref<!tpu.dma_semaphore, #tpu.memory_space<semaphore_mem>>)
      %dma_wait3A_16 = arith.constant 0 : i32
      %dma_wait3A_17 = tpu.memref_slice %arg2[%add3A, %dma_wait3A_16] : memref<32x3328xi32, #tpu.memory_space<hbm>> -> memref<1x3328xi32, #tpu.memory_space<hbm>>
      %dma_wait3A_18 = tpu.memref_squeeze %dma_wait3A_17 : memref<1x3328xi32, #tpu.memory_space<hbm>> -> memref<3328xi32, #tpu.memory_space<hbm>>
      %dma_wait3A_19 = arith.constant 0 : i32
      %dma_wait3A_20 = tpu.memref_slice %arg2[%add3A, %dma_wait3A_19] : memref<32x3328xi32, #tpu.memory_space<hbm>> -> memref<1x3328xi32, #tpu.memory_space<hbm>>
      %dma_wait3A_21 = tpu.memref_squeeze %dma_wait3A_20 : memref<1x3328xi32, #tpu.memory_space<hbm>> -> memref<3328xi32, #tpu.memory_space<hbm>>
      tpu.wait_dma2 semaphore(%run_scoped3A : memref<!tpu.dma_semaphore, #tpu.memory_space<semaphore_mem>>) src(%dma_wait3A_21 : memref<3328xi32, #tpu.memory_space<hbm>>) dst(%arg5 : memref<3328xi32, #tpu.memory_space<vmem>>)
      tpu.yield
    }) : () -> ()
    %iota3A = tpu.iota {dimensions = array<i32: 0>} : vector<16xi32>
    %scan3A = arith.constant 0 : i32
    %scan3A_3 = arith.constant 0 : i32
    %scan3A_4 = arith.constant 208 : i32
    %scan3A_5 = arith.addi %scan3A_3, %scan3A_4 : i32
    %scan3A_6 = arith.constant 1 : i32
    scf.for %scan3A_11 = %scan3A_3 to %scan3A_5 step %scan3A_6  : i32 {
      %mul3A_12 = arith.constant 16 : i32
      %mul3A_13 = arith.muli %scan3A_11, %mul3A_12 : i32
      %get3A = arith.index_cast %mul3A_13 : i32 to index
      %get3A_14 = tpu.vector_load %arg5[%get3A] {strides = array<i32>} : memref<3328xi32, #tpu.memory_space<vmem>>, vector<16xi32>,
      %get3A_15 = vector.shape_cast %get3A_14 : vector<16xi32> to vector<16xi32>
      %mul3A_16 = arith.constant 16 : i32
      %mul3A_17 = arith.muli %scan3A_11, %mul3A_16 : i32
      %add3A_18 = arith.addi %mul3A_2, %mul3A_17 : i32
      %add3A_19 = vector.broadcast %add3A_18 : i32 to vector<16xi32>
      %add3A_20 = arith.addi %add3A_19, %iota3A : vector<16xi32>
      %rem3A = arith.constant 26 : i32
      %rem3A_21 = vector.broadcast %rem3A : i32 to vector<16xi32>
      %rem3A_22 = arith.remsi %add3A_20, %rem3A_21 : vector<16xi32>
      %mul3A_23 = arith.constant 100000 : i32
      %mul3A_24 = vector.broadcast %mul3A_23 : i32 to vector<16xi32>
      %mul3A_25 = arith.muli %rem3A_22, %mul3A_24 : vector<16xi32>
      %add3A_26 = arith.addi %get3A_15, %mul3A_25 : vector<16xi32>
      %mul3A_27 = arith.constant 16 : i32
      %mul3A_28 = arith.muli %scan3A_11, %mul3A_27 : i32
      %dma_start3A = arith.constant 0 : i32
      %dma_start3A_29 = tpu.memref_slice %arg6[%mul3A_28, %dma_start3A] : memref<3328x16xf32, #tpu.memory_space<vmem>> -> memref<16x16xf32, #tpu.memory_space<vmem>>
      %dma_start3A_30 = arith.constant 0 : i32
      %dma_start3A_31 = arith.constant 0 : i32
      %dma_start3A_32 = tpu.memref_slice %arg3[%dma_start3A_30, %dma_start3A_31] : memref<2600000x16xf32, #tpu.memory_space<hbm>> -> memref<2600000x16xf32, #tpu.memory_space<hbm>>
      tpu.enqueue_indirect_dma source(%dma_start3A_32 : memref<2600000x16xf32, #tpu.memory_space<hbm>>) target(%dma_start3A_29 : memref<16x16xf32, #tpu.memory_space<vmem>>) offsets(%add3A_26 : vector<16xi32>) semaphore(%arg7 : memref<!tpu.dma_semaphore, #tpu.memory_space<semaphore_mem>>)
    }
    %scan3A_7 = arith.constant 208 : i32
    %dma_wait3A = arith.constant 0 : i32
    %dma_wait3A_8 = tpu.memref_slice %arg4[%mul3A_2, %dma_wait3A] : memref<106496x16xf32, #tpu.memory_space<hbm>> -> memref<3328x16xf32, #tpu.memory_space<hbm>>
    %dma_wait3A_9 = arith.constant 0 : i32
    %dma_wait3A_10 = tpu.memref_slice %arg4[%mul3A_2, %dma_wait3A_9] : memref<106496x16xf32, #tpu.memory_space<hbm>> -> memref<3328x16xf32, #tpu.memory_space<hbm>>
    tpu.wait_dma2 semaphore(%arg7 : memref<!tpu.dma_semaphore, #tpu.memory_space<semaphore_mem>>) src(%dma_wait3A_10 : memref<3328x16xf32, #tpu.memory_space<hbm>>) dst(%arg6 : memref<3328x16xf32, #tpu.memory_space<vmem>>)
    "tpu.region"() ({
      %run_scoped3A = tpu.sem_alloc : memref<!tpu.dma_semaphore, #tpu.memory_space<semaphore_mem>>
      %dma_start3A = arith.constant 0 : i32
      %dma_start3A_11 = tpu.memref_slice %arg4[%mul3A_2, %dma_start3A] : memref<106496x16xf32, #tpu.memory_space<hbm>> -> memref<3328x16xf32, #tpu.memory_space<hbm>>
      %dma_start3A_12 = arith.constant 0 : i32
      %dma_start3A_13 = tpu.memref_slice %arg4[%mul3A_2, %dma_start3A_12] : memref<106496x16xf32, #tpu.memory_space<hbm>> -> memref<3328x16xf32, #tpu.memory_space<hbm>>
      tpu.enqueue_dma source(%arg6 : memref<3328x16xf32, #tpu.memory_space<vmem>>) target(%dma_start3A_13 : memref<3328x16xf32, #tpu.memory_space<hbm>>) target_semaphore(%run_scoped3A : memref<!tpu.dma_semaphore, #tpu.memory_space<semaphore_mem>>)
      %dma_wait3A_14 = arith.constant 0 : i32
      %dma_wait3A_15 = tpu.memref_slice %arg4[%mul3A_2, %dma_wait3A_14] : memref<106496x16xf32, #tpu.memory_space<hbm>> -> memref<3328x16xf32, #tpu.memory_space<hbm>>
      %dma_wait3A_16 = arith.constant 0 : i32
      %dma_wait3A_17 = tpu.memref_slice %arg4[%mul3A_2, %dma_wait3A_16] : memref<106496x16xf32, #tpu.memory_space<hbm>> -> memref<3328x16xf32, #tpu.memory_space<hbm>>
      tpu.wait_dma2 semaphore(%run_scoped3A : memref<!tpu.dma_semaphore, #tpu.memory_space<semaphore_mem>>) src(%arg6 : memref<3328x16xf32, #tpu.memory_space<vmem>>) dst(%dma_wait3A_17 : memref<3328x16xf32, #tpu.memory_space<hbm>>)
      tpu.yield
    }) : () -> ()
    return
  }
}

module attributes {stable_mosaic.version = 14 : i64} {
  func.func @_tc_body(%arg0: i32, %arg1: memref<256x13xf32, #tpu.memory_space<vmem>>, %arg2: memref<256x416xf32, #tpu.memory_space<vmem>>, %arg3: memref<13x512xf32, #tpu.memory_space<vmem>>, %arg4: memref<1x512xf32, #tpu.memory_space<vmem>>, %arg5: memref<512x16xf32, #tpu.memory_space<vmem>>, %arg6: memref<1x16xf32, #tpu.memory_space<vmem>>, %arg7: memref<416x432xf32, #tpu.memory_space<vmem>>, %arg8: memref<1x16xf32, #tpu.memory_space<vmem>>, %arg9: memref<1x1xf32, #tpu.memory_space<vmem>>, %arg10: memref<256x1xf32, #tpu.memory_space<vmem>>) attributes {dimension_semantics = [#tpu.dimension_semantics<arbitrary>], iteration_bounds = array<i64: 16>, scalar_prefetch = 0 : i64, scratch_operands = 0 : i64, tpu.core_type = #tpu.core_type<tc>, window_params = [{transform_indices = @transform_0, window_bounds = array<i64: 256, 13>}, {transform_indices = @transform_1, window_bounds = array<i64: 256, 416>}, {pipeline_mode = #tpu.pipeline_mode<synchronous>, transform_indices = @transform_2, window_bounds = array<i64: 13, 512>}, {pipeline_mode = #tpu.pipeline_mode<synchronous>, transform_indices = @transform_3, window_bounds = array<i64: 1, 512>}, {pipeline_mode = #tpu.pipeline_mode<synchronous>, transform_indices = @transform_4, window_bounds = array<i64: 512, 16>}, {pipeline_mode = #tpu.pipeline_mode<synchronous>, transform_indices = @transform_5, window_bounds = array<i64: 1, 16>}, {pipeline_mode = #tpu.pipeline_mode<synchronous>, transform_indices = @transform_6, window_bounds = array<i64: 416, 432>}, {pipeline_mode = #tpu.pipeline_mode<synchronous>, transform_indices = @transform_7, window_bounds = array<i64: 1, 16>}, {pipeline_mode = #tpu.pipeline_mode<synchronous>, transform_indices = @transform_8, window_bounds = array<i64: 1, 1>}, {transform_indices = @transform_9, window_bounds = array<i64: 256, 1>}]} {
    %get3A = arith.constant 0 : index
    %get3A_0 = arith.constant 0 : index
    %get3A_1 = vector.load %arg1[%get3A, %get3A_0] : memref<256x13xf32, #tpu.memory_space<vmem>>, vector<256x13xf32>
    %get3A_2 = arith.constant 0 : index
    %get3A_3 = arith.constant 0 : index
    %get3A_4 = vector.load %arg3[%get3A_2, %get3A_3] : memref<13x512xf32, #tpu.memory_space<vmem>>, vector<13x512xf32>
    %dot_general3A = arith.constant dense<0.000000e+00> : vector<256x512xf32>
    %dot_general3A_5 = tpu.matmul %get3A_1, %get3A_4, %dot_general3A {dimension_numbers = #tpu.dot_dimension_numbers<[1], [0], [0], [1], [0, 0, 1, 1], [], []>, transpose_lhs_hint = false} : vector<256x13xf32>, vector<13x512xf32>, vector<256x512xf32> -> vector<256x512xf32>
    %get3A_6 = arith.constant 0 : index
    %get3A_7 = arith.constant 0 : index
    %get3A_8 = vector.load %arg4[%get3A_6, %get3A_7] : memref<1x512xf32, #tpu.memory_space<vmem>>, vector<1x512xf32>
    %add3A = vector.broadcast %get3A_8 : vector<1x512xf32> to vector<256x512xf32>
    %add3A_9 = arith.addf %dot_general3A_5, %add3A : vector<256x512xf32>
    %max3A = arith.constant 0.000000e+00 : f32
    %max3A_10 = vector.broadcast %max3A : f32 to vector<256x512xf32>
    %max3A_11 = arith.maximumf %add3A_9, %max3A_10 : vector<256x512xf32>
    %get3A_12 = arith.constant 0 : index
    %get3A_13 = arith.constant 0 : index
    %get3A_14 = vector.load %arg5[%get3A_12, %get3A_13] : memref<512x16xf32, #tpu.memory_space<vmem>>, vector<512x16xf32>
    %dot_general3A_15 = arith.constant dense<0.000000e+00> : vector<256x16xf32>
    %dot_general3A_16 = tpu.matmul %max3A_11, %get3A_14, %dot_general3A_15 {dimension_numbers = #tpu.dot_dimension_numbers<[1], [0], [0], [1], [0, 0, 1, 1], [], []>, transpose_lhs_hint = false} : vector<256x512xf32>, vector<512x16xf32>, vector<256x16xf32> -> vector<256x16xf32>
    %get3A_17 = arith.constant 0 : index
    %get3A_18 = arith.constant 0 : index
    %get3A_19 = vector.load %arg6[%get3A_17, %get3A_18] : memref<1x16xf32, #tpu.memory_space<vmem>>, vector<1x16xf32>
    %add3A_20 = vector.broadcast %get3A_19 : vector<1x16xf32> to vector<256x16xf32>
    %add3A_21 = arith.addf %dot_general3A_16, %add3A_20 : vector<256x16xf32>
    %max3A_22 = arith.constant 0.000000e+00 : f32
    %max3A_23 = vector.broadcast %max3A_22 : f32 to vector<256x16xf32>
    %max3A_24 = arith.maximumf %add3A_21, %max3A_23 : vector<256x16xf32>
    %get3A_25 = arith.constant 0 : index
    %get3A_26 = arith.constant 0 : index
    %get3A_27 = vector.load %arg2[%get3A_25, %get3A_26] : memref<256x416xf32, #tpu.memory_space<vmem>>, vector<256x416xf32>
    %get3A_28 = arith.constant 0 : index
    %get3A_29 = arith.constant 0 : index
    %get3A_30 = vector.load %arg7[%get3A_28, %get3A_29] : memref<416x432xf32, #tpu.memory_space<vmem>>, vector<416x432xf32>
    %dot_general3A_31 = arith.constant dense<0.000000e+00> : vector<256x432xf32>
    %dot_general3A_32 = tpu.matmul %get3A_27, %get3A_30, %dot_general3A_31 {dimension_numbers = #tpu.dot_dimension_numbers<[1], [0], [0], [1], [0, 0, 1, 1], [], []>, transpose_lhs_hint = false} : vector<256x416xf32>, vector<416x432xf32>, vector<256x432xf32> -> vector<256x432xf32>
    %slice3A = vector.extract_strided_slice %dot_general3A_32 {offsets = [0, 0], sizes = [256, 416], strides = [1, 1]} : vector<256x432xf32> to vector<256x416xf32>
    %slice3A_33 = vector.extract_strided_slice %dot_general3A_32 {offsets = [0, 416], sizes = [256, 16], strides = [1, 1]} : vector<256x432xf32> to vector<256x16xf32>
    %mul3A = arith.mulf %slice3A, %get3A_27 : vector<256x416xf32>
    %reduce_sum3A = arith.constant dense<0.000000e+00> : vector<256xf32>
    %reduce_sum3A_34 = vector.multi_reduction <add>, %mul3A, %reduce_sum3A [1] : vector<256x416xf32> to vector<256xf32>
    %broadcast_in_dim3A = vector.shape_cast %reduce_sum3A_34 : vector<256xf32> to vector<256x1xf32>
    %get3A_35 = arith.constant 0 : index
    %get3A_36 = arith.constant 0 : index
    %get3A_37 = vector.load %arg8[%get3A_35, %get3A_36] : memref<1x16xf32, #tpu.memory_space<vmem>>, vector<1x16xf32>
    %add3A_38 = vector.broadcast %get3A_37 : vector<1x16xf32> to vector<256x16xf32>
    %add3A_39 = arith.addf %slice3A_33, %add3A_38 : vector<256x16xf32>
    %mul3A_40 = arith.mulf %max3A_24, %add3A_39 : vector<256x16xf32>
    %reduce_sum3A_41 = arith.constant dense<0.000000e+00> : vector<256xf32>
    %reduce_sum3A_42 = vector.multi_reduction <add>, %mul3A_40, %reduce_sum3A_41 [1] : vector<256x16xf32> to vector<256xf32>
    %broadcast_in_dim3A_43 = vector.shape_cast %reduce_sum3A_42 : vector<256xf32> to vector<256x1xf32>
    %add3A_44 = arith.addf %broadcast_in_dim3A, %broadcast_in_dim3A_43 : vector<256x1xf32>
    %get3A_45 = arith.constant 0 : index
    %get3A_46 = arith.constant 0 : index
    %get3A_47 = vector.load %arg9[%get3A_45, %get3A_46] : memref<1x1xf32, #tpu.memory_space<vmem>>, vector<1x1xf32>
    %add3A_48 = vector.broadcast %get3A_47 : vector<1x1xf32> to vector<256x1xf32>
    %add3A_49 = arith.addf %add3A_44, %add3A_48 : vector<256x1xf32>
    %max3A_50 = arith.constant 0.000000e+00 : f32
    %max3A_51 = vector.broadcast %max3A_50 : f32 to vector<256x1xf32>
    %max3A_52 = arith.maximumf %add3A_49, %max3A_51 : vector<256x1xf32>
    %swap3A = arith.constant 0 : index
    %swap3A_53 = arith.constant 0 : index
    %swap3A_54 = vector.load %arg10[%swap3A, %swap3A_53] : memref<256x1xf32, #tpu.memory_space<vmem>>, vector<256x1xf32>
    tpu.vector_store %arg10[%swap3A, %swap3A_53], %max3A_52 {strides = array<i32>} : memref<256x1xf32, #tpu.memory_space<vmem>>, vector<256x1xf32>,
    return
  }
  func.func @transform_0(%arg0: i32) -> (i32, i32) {
    %c0_i32 = arith.constant 0 : i32
    %c0_i32_0 = arith.constant 0 : i32
    return %arg0, %c0_i32 : i32, i32
  }
  func.func @transform_1(%arg0: i32) -> (i32, i32) {
    %c0_i32 = arith.constant 0 : i32
    %c0_i32_0 = arith.constant 0 : i32
    return %arg0, %c0_i32 : i32, i32
  }
  func.func @transform_2(%arg0: i32) -> (i32, i32) {
    %c0_i32 = arith.constant 0 : i32
    %c0_i32_0 = arith.constant 0 : i32
    %c0_i32_1 = arith.constant 0 : i32
    return %c0_i32, %c0_i32_0 : i32, i32
  }
  func.func @transform_3(%arg0: i32) -> (i32, i32) {
    %c0_i32 = arith.constant 0 : i32
    %c0_i32_0 = arith.constant 0 : i32
    %c0_i32_1 = arith.constant 0 : i32
    return %c0_i32, %c0_i32_0 : i32, i32
  }
  func.func @transform_4(%arg0: i32) -> (i32, i32) {
    %c0_i32 = arith.constant 0 : i32
    %c0_i32_0 = arith.constant 0 : i32
    %c0_i32_1 = arith.constant 0 : i32
    return %c0_i32, %c0_i32_0 : i32, i32
  }
  func.func @transform_5(%arg0: i32) -> (i32, i32) {
    %c0_i32 = arith.constant 0 : i32
    %c0_i32_0 = arith.constant 0 : i32
    %c0_i32_1 = arith.constant 0 : i32
    return %c0_i32, %c0_i32_0 : i32, i32
  }
  func.func @transform_6(%arg0: i32) -> (i32, i32) {
    %c0_i32 = arith.constant 0 : i32
    %c0_i32_0 = arith.constant 0 : i32
    %c0_i32_1 = arith.constant 0 : i32
    return %c0_i32, %c0_i32_0 : i32, i32
  }
  func.func @transform_7(%arg0: i32) -> (i32, i32) {
    %c0_i32 = arith.constant 0 : i32
    %c0_i32_0 = arith.constant 0 : i32
    %c0_i32_1 = arith.constant 0 : i32
    return %c0_i32, %c0_i32_0 : i32, i32
  }
  func.func @transform_8(%arg0: i32) -> (i32, i32) {
    %c0_i32 = arith.constant 0 : i32
    %c0_i32_0 = arith.constant 0 : i32
    %c0_i32_1 = arith.constant 0 : i32
    return %c0_i32, %c0_i32_0 : i32, i32
  }
  func.func @transform_9(%arg0: i32) -> (i32, i32) {
    %c0_i32 = arith.constant 0 : i32
    %c0_i32_0 = arith.constant 0 : i32
    return %arg0, %c0_i32 : i32, i32
  }
}

</mosaic_0001>

<sc_bundles>
// kernel: kernel.4.cloned.1.call-start
scs
__scs_entry_jumppad:
0x0: {  	(pc) =	sbr.rel $0x88, $3  }
0x1: {  	(tag) =	ssettag $0x0;
	lr =	simm.s32 $0x1  }
0x2: {  	[smem:$0x3F98] =	sst lr;
	_ =	strace $0xD0000000  }
0x3: {  	_ = 	snop  }
0x4: {  	_ = 	snop  }
0x5: {  	_ = 	snop  }
0x6: {  	_ = 	snop  }
0x7: {  	_ = 	snop  }
__scs_overlays_trampoline_lowered:
0x8: {  	[smem:$0x3FA7] =	sst s0  }
0x9: {  	[smem:$0x3FA8] =	sst s1  }
0xa: {  	[smem:$0x3FA9] =	sst s2  }
0xb: {  	[smem:$0x3FAA] =	sst s3  }
0xc: {  	[smem:$0x3FAB] =	sst s4  }
0xd: {  	[smem:$0x3FAC] =	sst s5  }
0xe: {  	[smem:$0x3FAD] =	sst s6  }
0xf: {  	[smem:$0x3FAE] =	sst s7  }
0x10: {  	[smem:$0x3FAF] =	sst s8  }
0x11: {  	[smem:$0x3FB0] =	sst s9;
	s0 =	simm.s32 @!p0 $0x0  }
0x12: {  	s1 =	sld [smem:$0x3F96];
	s0 =	simm.s32 @p0 $0x1  }
0x13: {  	[smem:$0x3FB1] =	sst s0;
	s0 =	simm.s32 @!p1 $0x0  }
0x14: {  	s2 =	sld [smem:$0x3F95];
	s0 =	simm.s32 @p1 $0x1  }
0x15: {  	[smem:$0x3FB2] =	sst s0;
	s0 =	simm.s32 @!p2 $0x0  }
0x16: {  	s3 =	sld [smem:$0x3FDB];
	s0 =	simm.s32 @p2 $0x1  }
0x17: {  	s4 =	simm.s32 $0x1BF5;
	[smem:$0x3FB4] =	sst s0  }
0x18: {  	s0 =	sld [smem:$0x3F97];
	_ =	swait.ge [sflag:s4], $0x0  }
0x19: {  	s7 =	sld [smem:$0x3F98]  }
0x1a: {  	s8 =	sadd.s32 $0xFFFFE003, lr  }
0x1b: {  	s9 =	sadd.s32 $0xFFFFFEF7, lr;
	s5 =	simm.s32 $0xFFFFFFFF;
	p2 =	slt.u32 s8, $0xFFFFF086  }
0x1c: {  	p1 =	slt.u32 s9, $0xF7A;
	s5 =	simm.s32 @!p2 $0x0  }
0x1d: {  	s5 =	simm.s32 @p1 $0x1;
	p0 =	seq.s32 s7, s2  }
0x1e: {  	s7 =	smul.u32 @!p0 $0xF7A, s2;
	p2 =	seq.s32 @!p0 s5, $0x0  }
0x1f: {  	s9 =	smul.u32 $0xF7A, s1;
	s8 =	simm.s32 @!p0 $0x1BF5;
	p2 =	por !p2, p0  }
0x20: {  	[sflag:s8] =	ssyncset.s32 @!p0 $0xFFFFF086;
	s6 =	sadd.s32 @!p0 s3, s7;
	s7 =	simm.s32 @!p0 $0x108  }
0x21: {  	s3 =	sadd.s32 s3, s9;
	s6 =	sadd.s32 @!p0 $0x88, s6;
	s7 =	simm.s32 @p2 $0x1082  }
0x22: {  	[simem:s7], [sflag:s8] =	dma.local @!p0 [hbm:s6], $0xF7A  }
0x23: {  	s9 =	sor.u32 $0xD0000000, s2;
	s6 =	simm.s32 $0x108;
	_ =	swait.ge @!p0 [sflag:s8], $0x0  }
0x24: {  	s3 =	sadd.s32 $0x88, s3;
	s6 =	simm.s32 @!p1 $0x1082;
	[sflag:s4] =	ssyncset.s32 $0xFFFFF086  }
0x25: {  	[simem:s6], [sflag:s4] =	dma.local [hbm:s3], $0xF7A  }
0x26: {  	[smem:$0x3F98] =	sst s1;
	(tag) =	ssettag s2;
	_ =	strace s9  }
0x27: {  	s1 =	sld [smem:$0x3FA8]  }
0x28: {  	s2 =	sld [smem:$0x3FA9]  }
0x29: {  	s4 =	sld [smem:$0x3FAB]  }
0x2a: {  	p0 =	seq.s32 s5, $0x0;
	s5 =	sld [smem:$0x3FAC]  }
0x2b: {  	s6 =	sld [smem:$0x3FAD]  }
0x2c: {  	s7 =	sld [smem:$0x3FAE]  }
0x2d: {  	s3 =	simm.s32 $0x108;
	s8 =	sld [smem:$0x3FAF]  }
0x2e: {  	s3 =	simm.s32 @!p0 $0x1082;
	s9 =	sld [smem:$0x3FB0]  }
0x2f: {  	lr =	sadd.s32 s0, s3;
	s0 =	sld [smem:$0x3FA7]  }
0x30: {  	s3 =	sld [smem:$0x3FAA]  }
0x31: {  	[smem:$0x3FB3] =	sst s10  }
0x32: {  	s10 =	sld [smem:$0x3FB1];
	_ =	sdelay $0x3  }
0x33: {  	p0 =	seq.s32 s10, $0x1;
	s10 =	sld [smem:$0x3FB3];
	_ =	sdelay $0x3  }
0x34: {  	[smem:$0x3FB3] =	sst s10  }
0x35: {  	s10 =	sld [smem:$0x3FB2];
	_ =	sdelay $0x3  }
0x36: {  	p1 =	seq.s32 s10, $0x1;
	s10 =	sld [smem:$0x3FB3];
	_ =	sdelay $0x3  }
0x37: {  	[smem:$0x3FB3] =	sst s10  }
0x38: {  	s10 =	sld [smem:$0x3FB4]  }
0x39: {  	_ = 	snop;
	(pc) =	sbr.ind lr, $3  }
0x3a: {  	_ = 	snop  }
0x3b: {  	_ = 	snop  }
0x3c: {  	p2 =	seq.s32 s10, $0x1;
	s10 =	sld [smem:$0x3FB3]  }
0x3d: {  	_ =	shalt  }
0x3e: {  	_ =	shalt  }
0x3f: {  	_ =	shalt  }
0x40: {  	_ =	shalt  }
0x41: {  	_ =	shalt  }
0x42: {  	_ =	shalt  }
0x43: {  	_ =	shalt  }
0x44: {  	_ =	shalt  }
0x45: {  	_ =	shalt  }
0x46: {  	_ =	shalt  }
0x47: {  	_ =	shalt  }
0x48: {  	_ =	shalt  }
0x49: {  	_ =	shalt  }
0x4a: {  	_ =	shalt  }
0x4b: {  	_ =	shalt  }
0x4c: {  	_ =	shalt  }
0x4d: {  	_ =	shalt  }
0x4e: {  	_ =	shalt  }
0x4f: {  	_ =	shalt  }
0x50: {  	_ =	shalt  }
0x51: {  	_ =	shalt  }
0x52: {  	_ =	shalt  }
0x53: {  	_ =	shalt  }
0x54: {  	_ =	shalt  }
0x55: {  	_ =	shalt  }
0x56: {  	_ =	shalt  }
0x57: {  	_ =	shalt  }
0x58: {  	_ =	shalt  }
0x59: {  	_ =	shalt  }
0x5a: {  	_ =	shalt  }
0x5b: {  	_ =	shalt  }
0x5c: {  	_ =	shalt  }
0x5d: {  	_ =	shalt  }
0x5e: {  	_ =	shalt  }
0x5f: {  	_ =	shalt  }
0x60: {  	_ =	shalt  }
0x61: {  	_ =	shalt  }
0x62: {  	_ =	shalt  }
0x63: {  	_ =	shalt  }
0x64: {  	_ =	shalt  }
0x65: {  	_ =	shalt  }
0x66: {  	_ =	shalt  }
0x67: {  	_ =	shalt  }
0x68: {  	_ =	shalt  }
0x69: {  	_ =	shalt  }
0x6a: {  	_ =	shalt  }
0x6b: {  	_ =	shalt  }
0x6c: {  	_ =	shalt  }
0x6d: {  	_ =	shalt  }
0x6e: {  	_ =	shalt  }
0x6f: {  	_ =	shalt  }
0x70: {  	_ =	shalt  }
0x71: {  	_ =	shalt  }
0x72: {  	_ =	shalt  }
0x73: {  	_ =	shalt  }
0x74: {  	_ =	shalt  }
0x75: {  	_ =	shalt  }
0x76: {  	_ =	shalt  }
0x77: {  	_ =	shalt  }
0x78: {  	_ =	shalt  }
0x79: {  	_ =	shalt  }
0x7a: {  	_ =	shalt  }
0x7b: {  	_ =	shalt  }
0x7c: {  	_ =	shalt  }
0x7d: {  	_ =	shalt  }
0x7e: {  	_ =	shalt  }
0x7f: {  	_ =	shalt  }
0x80: {  	_ =	shalt  }
0x81: {  	_ =	shalt  }
0x82: {  	_ =	shalt  }
0x83: {  	_ =	shalt  }
0x84: {  	_ =	shalt  }
0x85: {  	_ =	shalt  }
0x86: {  	_ =	shalt  }
0x87: {  	_ =	shalt  }
.Lfunc_end0:
.L_simem_size_0:
called_computation_lowered:
.L_overlay_start_0:
0x88: {  	s2 =	sld [smem:$0x3FD9]  }
0x89: {  	s3 =	sld [smem:$0x3FFE];
	_ =	sdelay $0x1  }
0x8a: {  	s1 =	srdreg.scid  }
0x8b: {  	s0 =	sand.u32 $0x1, s1  }
0x8c: {  	s16 =	sshll.u32 s0, $0xA;
	s2 =	sadd.s32 s3, s2  }
0x8d: {  	s2 =	sadd.s32 s2, s16  }
0x8e: {  	[smem:$0x3FBF] =	sst s2  }
0x8f: {  	_ = 	snop  }
0x90: {  	(tm) =	ssettm $0x1  }
0x91: {  	s17 =	sld [smem:$0x3FFB];
	_ =	sdelay $0x3  }
0x92: {  	_ =	strace s17  }
0x93: {  	s2 =	sld [smem:$0x3FFC];
	_ =	sdelay $0x3  }
0x94: {  	_ =	strace s2  }
0x95: {  	s2 =	sld [smem:$0x3FFD];
	_ =	sdelay $0x3  }
0x96: {  	_ =	strace s2  }
0x97: {  	_ =	strace $0x8FFFFFFF  }
0x98: {  	s18 =	sld [smem:$0x3FDB];
	_ =	sdelay $0x1  }
0x99: {  	s19 =	simm.s32 $_scs_section_size  }
0x9a: {  	s4 =	simm.s32 $_size__tile_overlayer_lowered;
	s5 =	simm.s32 $_tile_overlayer_lowered  }
0x9b: {  	s22 =	simm.s32 $0x1BFF;
	s21 =	sshll.u32 s5, $0x1;
	s2 =	sadd.s32 s19, s18  }
0x9c: {  	s6 =	simm.s32 $0x0;
	s20 =	sshll.u32 s4, $0x1;
	s4 =	sadd.s32 s21, s2  }
0x9d: {  	[timem:s6], [sflag:s22] =	dma.local [hbm:s4], s20  }
0x9e: {  	_ =	swait.ge [sflag:s22], s20  }
0x9f: {  	s3 =	ssub.s32 $0x0, s20;
	[sflag:s22] =	ssyncset.done $0x0  }
0xa0: {  	[sflag:s22] =	ssyncadd.s32 s3;
	_ =	sdelay $0x1  }
0xa1: {  	s23 =	simm.s32 $0x1B8B  }
0xa2: {  	_ =	swait.ge [sflag:s23], $0x1  }
0xa3: {  	[sflag:s23] =	ssyncset.done $0x0  }
0xa4: {  	s25 =	simm.s32 $0x1B8E;
	s24 =	sld [smem:$0x3FFE];
	[sflag:s23] =	ssyncadd.s32 $0xFFFFFFFF  }
0xa5: {  	s26 =	simm.s32 $execute0_lowered;
	[smem:$0x3FD2] =	sst s25  }
0xa6: {  	s4 =	sshll.u32 s26, $0x1;
	_ =	strace $0x80000046;
	[dreg:$0x1] =	wrdreg $0xFFFFFFFF  }
0xa7: {  	s28 =	simm.s32 $_size_execute0_lowered;
	s2 =	sadd.s32 s2, s4;
	[dreg:$0x0] =	wrdreg $0x0  }
0xa8: {  	s4 =	sshll.u32 s28, $0x1;
	[dreg:$0x2] =	wrdreg s2  }
0xa9: {  	[dreg:$0x3] =	wrdreg s4  }
0xaa: {  	[dreg:$0x4] =	wrdreg $0xC0  }
0xab: {  	_ =	task [dreg:s6], $0x5FFFF  }
0xac: {  	[dreg:$0x1] =	wrdreg $0xFFFFFFFF  }
0xad: {  	[dreg:$0x0] =	wrdreg $0x60  }
0xae: {  	[dreg:$0x2] =	wrdreg s24  }
0xaf: {  	[dreg:$0x3] =	wrdreg $0x9  }
0xb0: {  	_ =	task.clear_ibuf [dreg:s6], $0x4FFFF;
	_ =	strace $0x90000046  }
0xb1: {  	s29 =	simm.s32 $0x9;
	_ =	strace $0x80000048  }
0xb2: {  	_ =	swait.ge [sflag:s29], $0x1  }
0xb3: {  	[sflag:s29] =	ssyncadd.s32 $0xFFFFFFFF  }
0xb4: {  	_ =	strace $0x90000048  }
0xb5: {  	_ =	sfence  }
0xb6: {  	s30 =	sld [smem:$0x0];
	_ =	sdelay $0x2  }
0xb7: {  	s31 =	sshll.u32 s1, $0xD;
	s1 =	sshrl.u32 s1, $0x2  }
0xb8: {  	s3 =	sand.u32 $0x4000, s31;
	s1 =	sadd.s32 s1, s30  }
0xb9: {  	s0 =	sor.u32 s3, s0;
	s1 =	sshll.u32 s1, $0x11  }
0xba: {  	s0 =	sor.u32 s1, s0  }
0xbb: {  	s0 =	sadd.s32 $0x8F2B, s0  }
0xbc: {  	[sflag:s0] =	ssyncadd.remote.s32 $0x1  }
0xbd: {  	_ =	sfence.sel $0xFFFF  }
0xbe: {  	[dreg:$0x0] =	wrdreg $0xFFFFFFFF;
	(pc) =	sbr.abs _section_cstart, $3  }
0xbf: {  	[dreg:$0x1] =	wrdreg $0xFFFFFFFF  }
0xc0: {  	_ =	task.clear_ibuf [dreg:s6], $0x2FFFF;
	_ =	strace $0x9FFFFFFF  }
0xc1: {  	(tm) =	ssettm $0x7FFFFFFF  }
tec
execute0_lowered:
.L_overlay_start_1:
0x0: {  	(tag) =	ssettag $0x1  }
0x1: {  	s3 =	srdreg.scid;
	s1 =	stileid.u32  }
0x2: {  	s4 =	rddreg [dreg:$0x0];
	s5 =	sand.u32 $0x1, s3;
	s31 =	sshll.u32 s1, $0x1  }
0x3: {  	s0 =	rddreg [dreg:$0x1];
	s2 =	simm.s32 $0x0;
	s6 =	sor.u32 s5, s31  }
0x4: {  	[smem:$0x7FF] =	sst s2;
	s7 =	smul.u32 $0x1A00, s6  }
0x5: {  	s3 =	sadd.s32 $0x27AC400, s4;
	s8 =	ssub.s32 $0x2, s5;
	s6 =	smul.u32 $0xD00, s6  }
0x6: {  	s9 =	smul.u32 $0x1A00, s1;
	_ =	strace $0x80000047;
	s10 =	sshrl.u32 s8, $0x1  }
0x7: {  	s11 =	smul.u32 $0xD00, s5;
	s8 =	ssub.s32 s8, s10;
	s6 =	sshrl.u32 s6, $0x3  }
0x8: {  	s10 =	simm.s32 $0xD00;
	s7 =	sadd.s32 s7, s4;
	s4 =	sadd.s32 s4, s6  }
0x9: {  	s5 =	sadd.s32 $0x3400, s7;
	s6 =	smax.u32 s8, $0x1;
	s7 =	sadd.s32 s11, s9  }
0xa: {  	v0 =	vlaneseq.u32;
	vm0 =	vmmov $0xffff;
	s8 =	simm.s32 $0x2;
	s9 =	simm.s32 $0x1;
	s11 =	simm.s32 $0x0  }
.LBB2_1:
0xb: {  	[tilespmem:s2], [sflag:$0x2] =	stream.linear.gather [hbm4b:s4+s2], $0xD00, $0x38;
	v1 =	vor.u32 s7, v0;
	[tilespmem:$0xDD00] =	vst v63  }
0xc: {  	_ =	swait.ge [sflag:s8], $0xD00;
	v2 =	vmulhi.u32 $0x4EC4EC4F, v1  }
0xd: {  	[sflag:s8] =	ssyncset.done $0x0  }
0xe: {  	s12 =	simm.s32 $0x0;
	[sflag:s8] =	ssyncadd.s32 $0xFFFFF300;
	v2 =	vshrl.u32 v2, $0x3  }
0xf: {  	v3 =	vld [tilespmem:s12+$0x0];
	v2 =	vmul.u32 $0x1A, v2;
	_ =	sdelay $0x1  }
0x10: {  	v1 =	vsub.s32 v1, v2  }
0x11: {  	v1 =	vmul.u32 $0x186A0, v1;
	_ =	sdelay $0x1  }
0x12: {  	v1 =	vadd.s32 v1, v3  }
0x13: {  	s31 =	sadd.s32 $0x10, s7  }
0x14: {  	v2 =	vor.u32 s31, v0  }
0x15: {  	v3 =	vmulhi.u32 $0x4EC4EC4F, v2  }
0x16: {  	s13 =	simm.s32 $0x10  }
0x17: {  	v3 =	vshrl.u32 v3, $0x3;
	[tilespmem:s10], [sflag:$0x1] =	stream.indirect_vreg.gather [hbm4b:s3+s2], $0x10, v1, vm0, $0xb8;
	[tilespmem:$0xDD00] =	vst v63  }
0x18: {  	v3 =	vmul.u32 $0x1A, v3;
	v1 =	vld [tilespmem:s13+$0x0];
	_ =	sdelay $0x1  }
0x19: {  	v2 =	vsub.s32 v2, v3  }
0x1a: {  	v2 =	vmul.u32 $0x186A0, v2;
	_ =	sdelay $0x1  }
0x1b: {  	v2 =	vadd.s32 v2, v1  }
0x1c: {  	s12 =	sadd.s32 $0x10, s31  }
0x1d: {  	s15 =	simm.s32 $0xC0;
	s14 =	simm.s32 $0xD00;
	s13 =	simm.s32 $0x80;
	v1 =	vor.u32 s12, v0  }
.LBB2_2:
0x1e: {  	p0 =	sne.s32 s15, $0x33C0;
	v3 =	vmulhi.u32 $0x4EC4EC4F, v1  }
0x1f: {  	s16 =	sshra.s32 s13, $0x2;
	s14 =	sadd.s32 $0x100, s14;
	s13 =	smov.u32 s15  }
0x20: {  	v3 =	vshrl.u32 v3, $0x3;
	[tilespmem:s14], [sflag:$0x1] =	stream.indirect_vreg.gather [hbm4b:s3+s2], $0x10, v2, vm0, $0xb8;
	[tilespmem:$0xDD00] =	vst v63  }
0x21: {  	v2 =	vld [tilespmem:s16+$0x0];
	v3 =	vmul.u32 $0x1A, v3;
	_ =	sdelay $0x1  }
0x22: {  	v1 =	vsub.s32 v1, v3  }
.Ltmp0:
0x23: {  	v1 =	vmul.u32 $0x186A0, v1;
	(pc) =	sbr.rel @p0 .LBB2_2-.Ltmp0, $4  }
0x24: {  	_ = 	snop  }
0x25: {  	v2 =	vadd.s32 v1, v2  }
0x26: {  	s12 =	sadd.s32 $0x10, s12  }
0x27: {  	s15 =	sadd.s32 $0x40, s15;
	v1 =	vor.u32 s12, v0  }
0x28: {  	_ =	sdelay $0x1  }
0x29: {  	v3 =	vmulhi.u32 $0x4EC4EC4F, v1  }
0x2a: {  	s12 =	sshra.s32 s13, $0x2;
	s30 =	sadd.s32 $0x100, s14  }
0x2b: {  	[tilespmem:s30], [sflag:$0x1] =	stream.indirect_vreg.gather [hbm4b:s3+s2], $0x10, v2, vm0, $0xb8;
	v3 =	vshrl.u32 v3, $0x3;
	[tilespmem:$0xDD00] =	vst v63  }
0x2c: {  	v2 =	vld [tilespmem:s12+$0x0];
	v3 =	vmul.u32 $0x1A, v3;
	_ =	sdelay $0x1  }
0x2d: {  	v1 =	vsub.s32 v1, v3  }
0x2e: {  	v1 =	vmul.u32 $0x186A0, v1;
	_ =	sdelay $0x1  }
0x2f: {  	v1 =	vadd.s32 v1, v2;
	_ =	sdelay $0x3  }
0x30: {  	s31 =	sadd.s32 $0x100, s30  }
0x31: {  	[tilespmem:s31], [sflag:$0x1] =	stream.indirect_vreg.gather [hbm4b:s3+s2], $0x10, v1, vm0, $0xb8;
	[tilespmem:$0xDD00] =	vst v63  }
0x32: {  	s11 =	sadd.s32 $0x1, s11;
	_ =	swait.ge [sflag:s9], $0xD000  }
0x33: {  	p0 =	sne.s32 s11, s6;
	[sflag:s9] =	ssyncset.done $0x0  }
.Ltmp1:
0x34: {  	[sflag:s9] =	ssyncadd.s32 $0xFFFF3000;
	(pc) =	sbr.rel @p0 .LBB2_1-.Ltmp1, $4  }
0x35: {  	[hbm4b:s5+s2] =	stream.linear.scatter [tilespmem:s10], [sflag:$0x2], $0xD000, $0x38;
	[tilespmem:$0xDD00] =	vst v63  }
0x36: {  	_ =	swait.ge [sflag:s8], $0xD000  }
0x37: {  	[sflag:s8] =	ssyncset.done $0x0  }
0x38: {  	[sflag:s8] =	ssyncadd.s32 $0xFFFF3000  }
0x39: {  	_ =	sfence.sel $0x180000  }
0x3a: {  	[bflag:$0x0] =	sbarrier.arrive $0xFFFF  }
0x3b: {  	p0 =	sne.s32 s1, $0x0;
	_ =	strace $0x90000047  }
0x3c: {  	s0 =	sadd.s32 @!p0 $0x100000, s0;
	[bflag:$0x2] =	sbarrier.arrive $0xFFFF  }
0x3d: {  	[sflag:s0] =	ssyncadd.tile.s32 @!p0 $0x1;
	_ =	shalt  }
.Lfunc_end2:
_tile_overlayer_lowered:
.L_overlay_start_2:
0x3e: {  	(tag) =	ssettag $0x2  }
0x3f: {  	s0 =	rddreg [dreg:$0x0];
	s2 =	stileid.u32  }
0x40: {  	s1 =	rddreg [dreg:$0x1];
	p0 =	sne.s32 s2, $0x0  }
0x41: {  	s3 =	rddreg [dreg:$0x2];
	[bflag:$0x3] =	sbarrier.arrive $0xFFFF;
	s2 =	simm.s32 @!p0 $0x1C02  }
0x42: {  	[timem:s3], [sflag:s2] =	dma.local @!p0 [hbm:s0], s1  }
0x43: {  	s0 =	simm.s32 @!p0 $0x2  }
0x44: {  	_ =	swait.ge @!p0 [sflag:s0], s1  }
0x45: {  	s1 =	ssub.s32 @!p0 $0x0, s1;
	[sflag:s0] =	ssyncset.done @!p0 $0x0  }
0x46: {  	[sflag:s0] =	ssyncadd.s32 @!p0 s1  }
0x47: {  	[bflag:$0x3] =	sbarrier.arrive $0xFFFF  }
0x48: {  	_ =	shalt  }

</sc_bundles>
